<compile_context>
chip_gen: v7x
topology: tpu7x:2x2x1
jax: 0.10.2.dev20260603
libtpu: 0.0.44.dev20260713+nightly
codegen_flags: <defaults>
</compile_context>

<pallas_src>
import functools

import jax
import jax.numpy as jnp
from jax import lax
from jax.experimental import pallas as pl
from jax.experimental.pallas import tpu as pltpu
from jax.experimental.pallas import tpu_sc as plsc

S, N, D = 16, 8192, 3
QT = 512
HALF = N // 2
FLAT = N * D



NG = QT // 128


def _corr_body(mvt_ref, pts_ref, corr_ref):
    qxb = [jnp.broadcast_to(mvt_ref[0:1, g * 128:(g + 1) * 128], (8, 128))
           for g in range(NG)]
    qyb = [jnp.broadcast_to(mvt_ref[1:2, g * 128:(g + 1) * 128], (8, 128))
           for g in range(NG)]
    qzb = [jnp.broadcast_to(mvt_ref[2:3, g * 128:(g + 1) * 128], (8, 128))
           for g in range(NG)]
    row = lax.broadcasted_iota(jnp.int32, (8, 128), 0)
    big = jnp.full((8, 128), jnp.float32(jnp.inf))
    zero = jnp.zeros((8, 128), jnp.int32)

    def chunk(c, carry):
        rmins, ridxs = carry
        ptc = pts_ref[0, pl.ds(c * 8, 8), :]
        px = ptc[:, 0:1]
        py = ptc[:, 1:2]
        pz = ptc[:, 2:3]
        jc = row + c * 8
        new_m, new_i = [], []
        for g in range(NG):
            dx = px - qxb[g]
            dy = py - qyb[g]
            dz = pz - qzb[g]
            d8 = dx * dx + dy * dy + dz * dz
            take = d8 < rmins[g]
            new_m.append(jnp.minimum(rmins[g], d8))
            new_i.append(jnp.where(take, jc, ridxs[g]))
        return tuple(new_m), tuple(new_i)

    rmins, ridxs = lax.fori_loop(
        0, N // 8, chunk,
        (tuple(big for _ in range(NG)), tuple(zero for _ in range(NG))),
        unroll=2)
    for g in range(NG):
        m = jnp.min(rmins[g], axis=0, keepdims=True)
        cand = jnp.where(rmins[g] == m, ridxs[g], N)
        corr_ref[0, 0, pl.ds(g * 128, 128)] = jnp.min(cand, axis=0)


def _correspond(mvt, ximcp):
    return pl.pallas_call(
        _corr_body,
        grid=(S, N // QT),
        in_specs=[
            pl.BlockSpec((D, QT), lambda s, q: (0, q)),
            pl.BlockSpec((1, N, D), lambda s, q: (s, 0, 0)),
        ],
        out_specs=pl.BlockSpec((1, 1, QT), lambda s, q: (s, 0, q)),
        out_shape=jax.ShapeDtypeStruct((S, 1, N), jnp.int32),
    )(mvt, ximcp)



def _gather(xrflat, corr):
    mesh = plsc.VectorSubcoreMesh(core_axis_name="c", subcore_axis_name="s")

    @functools.partial(
        pl.kernel,
        mesh=mesh,
        out_type=jax.ShapeDtypeStruct((S * FLAT,), jnp.float32),
        compiler_params=pltpu.CompilerParams(needs_layout_passes=False),
        scratch_types=[
            pltpu.VMEM((FLAT,), jnp.float32),
            pltpu.VMEM((HALF,), jnp.int32),
            pltpu.VMEM((D * HALF,), jnp.float32),
        ],
    )
    def k(xr_hbm, corr_hbm, out_hbm, table_v, corr_v, out_v):
        wid = lax.axis_index("s") * 2 + lax.axis_index("c")
        sidx = wid // 2
        h = wid % 2
        pltpu.sync_copy(xr_hbm.at[pl.ds(sidx * FLAT, FLAT)], table_v)
        pltpu.sync_copy(corr_hbm.at[pl.ds(sidx * N + h * HALF, HALF)], corr_v)
        @plsc.parallel_loop(0, (D * HALF) // 16, 1)
        def body(g):
            kv = g * 16 + lax.iota(jnp.int32, 16)
            iv = kv // 3
            rv = kv - iv * 3
            cv = plsc.load_gather(corr_v, [iv])
            vals = plsc.load_gather(table_v, [cv * 3 + rv])
            out_v[pl.ds(g * 16, 16)] = vals
        pltpu.sync_copy(out_v,
                        out_hbm.at[pl.ds(sidx * FLAT + h * D * HALF, D * HALF)])

    return k(xrflat.reshape(S * FLAT), corr.reshape(S * N))



def kernel(x):
    xc = x - x.mean(axis=1, keepdims=True)
    scale = jnp.sqrt(jnp.sum(xc * xc, axis=(1, 2), keepdims=True)) + 1e-12
    x_n = xc / scale
    cov = jnp.einsum('snd,sne->sde', x_n, x_n) / N
    _, v = jnp.linalg.eigh(cov)
    x_imcp = jnp.einsum('snd,sde->sne', x_n, v)
    mv = x_imcp.mean(axis=0)
    xr = jnp.einsum('snd,sde->sne', xc, v)

    corr = _correspond(mv.T, x_imcp).reshape(S, N)

    flat = _gather(xr.reshape(S, FLAT), corr).reshape(S, FLAT)

    mean_shape = flat.mean(axis=0)
    xcd = flat - mean_shape[None, :]
    gram = (xcd @ xcd.T) / (S - 1)
    evals_a, evecs_a = jnp.linalg.eigh(gram)
    evals = evals_a[::-1]
    evecs = evecs_a[:, ::-1]
    comps = (xcd.T @ evecs) / (jnp.sqrt(jnp.maximum(evals, 1e-12) * (S - 1))[None, :])
    return mean_shape, evals, comps.T

# --- scband reference (transcript-rebuilt; emitter-appended) ---
"""Pipeline reference for scband-shape-model-4440996184399 (READ-ONLY COPY).

The authoritative reference and input builder live on the scoring server;
editing this copy changes nothing except your own understanding.
"""

import jax, jax.numpy as jnp
import numpy as np


def setup_inputs(seed: int = 0) -> dict:
    key = jax.random.key(seed)
    x = jax.random.normal(key, (16, 8192, 3), dtype=jnp.float32)
    return {"x": x}


def _forward(x):
    S, N, D = x.shape
    # --- normalize: center each shape and scale to unit Frobenius norm ---
    xc = x - x.mean(axis=1, keepdims=True)
    scale = jnp.sqrt(jnp.sum(xc * xc, axis=(1, 2), keepdims=True)) + 1e-12
    x_n = xc / scale
    # --- rotate to principal moment of inertia frame (per-shape 3x3 eigh) ---
    cov = jnp.einsum('snd,sne->sde', x_n, x_n) / N
    _, v = jnp.linalg.eigh(cov)
    x_imcp = jnp.einsum('snd,sde->sne', x_n, v)
    # --- intrinsic consensus shape (mv): pointwise mean over aligned shapes ---
    mv = x_imcp.mean(axis=0)
    # --- correspondence: for each consensus point, nearest neighbor in each shape ---
    def corr_one(pts):
        d = jnp.sum((mv[:, None, :] - pts[None, :, :]) ** 2, axis=-1)  # [N, N]
        return jnp.argmin(d, axis=1)
    corr = jax.lax.map(corr_one, x_imcp)  # int32 [S, N]
    # --- apply inertia rotation to centered (unscaled) shapes, then reorder ---
    xr = jnp.einsum('snd,sde->sne', xc, v)
    permuted = jnp.take_along_axis(xr, corr[:, :, None], axis=1)  # gather
    flat = permuted.reshape(S, -1)
    # --- PCA fit on permuted shapes (gram-matrix trick, S << D_flat) ---
    mean_shape = flat.mean(axis=0)
    Xc = flat - mean_shape[None, :]
    gram = (Xc @ Xc.T) / (S - 1)
    evals, evecs = jnp.linalg.eigh(gram)
    evals = evals[::-1]
    evecs = evecs[:, ::-1]
    comps = (Xc.T @ evecs) / (jnp.sqrt(jnp.maximum(evals, 1e-12) * (S - 1))[None, :])
    return mean_shape, evals, comps.T


def reference(x):
    return _forward(x)

if __name__ == "__main__":
    import jax
    _d = setup_inputs()
    print(jax.jit(kernel)(*tuple(_d.values())))

</pallas_src>

<mosaic_0001>
#map = affine_map<(d0, d1) -> (0)>
module attributes {stable_mosaic.version = 14 : i64} {
  func.func @k(%arg0: i32, %arg1: i32, %arg2: memref<393216xf32, #tpu.memory_space<hbm>>, %arg3: memref<131072xi32, #tpu.memory_space<hbm>>, %arg4: memref<393216xf32, #tpu.memory_space<hbm>>, %arg5: memref<24576xf32, #tpu.memory_space<vmem>>, %arg6: memref<4096xi32, #tpu.memory_space<vmem>>, %arg7: memref<12288xf32, #tpu.memory_space<vmem>>) attributes {dimension_semantics = [#tpu.dimension_semantics<core_parallel>, #tpu.dimension_semantics<subcore_parallel>], iteration_bounds = array<i64: 2, 16>, scalar_prefetch = 0 : i64, scratch_operands = 3 : i64, tpu.core_type = #tpu.core_type<sc_vector_subcore>, window_params = [{transform_indices = #map}, {transform_indices = #map}, {transform_indices = #map}]} {
    %mul3A = arith.constant 2 : i32
    %mul3A_0 = arith.muli %arg1, %mul3A : i32
    %add3A = arith.addi %mul3A_0, %arg0 : i32
    %jit3A = arith.constant 2 : i32
    %div3A = arith.divsi %add3A, %jit3A : i32
    %sign3A = arith.constant 0 : i32
    %sign3A_1 = arith.cmpi sgt, %add3A, %sign3A : i32
    %sign3A_2 = arith.extui %sign3A_1 : i1 to i32
    %sign3A_3 = arith.constant 0 : i32
    %sign3A_4 = arith.cmpi slt, %add3A, %sign3A_3 : i32
    %sign3A_5 = arith.extui %sign3A_4 : i1 to i32
    %sign3A_6 = arith.subi %sign3A_2, %sign3A_5 : i32
    %sign3A_7 = arith.constant 0 : i32
    %sign3A_8 = arith.cmpi sgt, %jit3A, %sign3A_7 : i32
    %sign3A_9 = arith.extui %sign3A_8 : i1 to i32
    %sign3A_10 = arith.constant 0 : i32
    %sign3A_11 = arith.cmpi slt, %jit3A, %sign3A_10 : i32
    %sign3A_12 = arith.extui %sign3A_11 : i1 to i32
    %sign3A_13 = arith.subi %sign3A_9, %sign3A_12 : i32
    %ne3A = arith.cmpi ne, %sign3A_6, %sign3A_13 : i32
    %rem3A = arith.remsi %add3A, %jit3A : i32
    %ne3A_14 = arith.constant 0 : i32
    %ne3A_15 = arith.cmpi ne, %rem3A, %ne3A_14 : i32
    %and3A = arith.andi %ne3A, %ne3A_15 : i1
    %sub3A = arith.constant 1 : i32
    %sub3A_16 = arith.subi %div3A, %sub3A : i32
    %select_n3A = arith.select %and3A, %sub3A_16, %div3A : i32
    %jit3A_17 = arith.constant 2 : i32
    %eq3A = arith.constant 0 : i32
    %eq3A_18 = arith.cmpi eq, %jit3A_17, %eq3A : i32
    %jit3A_19 = arith.constant 1 : i32
    %select_n3A_20 = arith.select %eq3A_18, %jit3A_19, %jit3A_17 : i32
    %rem3A_21 = arith.remsi %add3A, %select_n3A_20 : i32
    %ne3A_22 = arith.constant 0 : i32
    %ne3A_23 = arith.cmpi ne, %rem3A_21, %ne3A_22 : i32
    %lt3A = arith.constant 0 : i32
    %lt3A_24 = arith.cmpi slt, %rem3A_21, %lt3A : i32
    %lt3A_25 = arith.constant 0 : i32
    %lt3A_26 = arith.cmpi slt, %select_n3A_20, %lt3A_25 : i32
    %ne3A_27 = arith.xori %lt3A_24, %lt3A_26 : i1
    %and3A_28 = arith.andi %ne3A_27, %ne3A_23 : i1
    %add3A_29 = arith.addi %rem3A_21, %select_n3A_20 : i32
    %select_n3A_30 = arith.select %and3A_28, %add3A_29, %rem3A_21 : i32
    %mul3A_31 = arith.constant 24576 : i32
    %mul3A_32 = arith.muli %select_n3A, %mul3A_31 : i32
    "tpu.region"() ({
      %run_scoped3A = tpu.sem_alloc : memref<!tpu.dma_semaphore, #tpu.memory_space<semaphore_mem>>
      %dma_start3A = tpu.memref_slice %arg2[%mul3A_32] : memref<393216xf32, #tpu.memory_space<hbm>> -> memref<24576xf32, #tpu.memory_space<hbm>>
      %dma_start3A_47 = tpu.memref_slice %arg2[%mul3A_32] : memref<393216xf32, #tpu.memory_space<hbm>> -> memref<24576xf32, #tpu.memory_space<hbm>>
      tpu.enqueue_dma source(%dma_start3A_47 : memref<24576xf32, #tpu.memory_space<hbm>>) target(%arg5 : memref<24576xf32, #tpu.memory_space<vmem>>) target_semaphore(%run_scoped3A : memref<!tpu.dma_semaphore, #tpu.memory_space<semaphore_mem>>)
      %dma_wait3A = tpu.memref_slice %arg2[%mul3A_32] : memref<393216xf32, #tpu.memory_space<hbm>> -> memref<24576xf32, #tpu.memory_space<hbm>>
      %dma_wait3A_48 = tpu.memref_slice %arg2[%mul3A_32] : memref<393216xf32, #tpu.memory_space<hbm>> -> memref<24576xf32, #tpu.memory_space<hbm>>
      tpu.wait_dma2 semaphore(%run_scoped3A : memref<!tpu.dma_semaphore, #tpu.memory_space<semaphore_mem>>) src(%dma_wait3A_48 : memref<24576xf32, #tpu.memory_space<hbm>>) dst(%arg5 : memref<24576xf32, #tpu.memory_space<vmem>>)
      tpu.yield
    }) : () -> ()
    %mul3A_33 = arith.constant 8192 : i32
    %mul3A_34 = arith.muli %select_n3A, %mul3A_33 : i32
    %mul3A_35 = arith.constant 4096 : i32
    %mul3A_36 = arith.muli %select_n3A_30, %mul3A_35 : i32
    %add3A_37 = arith.addi %mul3A_34, %mul3A_36 : i32
    "tpu.region"() ({
      %run_scoped3A = tpu.sem_alloc : memref<!tpu.dma_semaphore, #tpu.memory_space<semaphore_mem>>
      %dma_start3A = tpu.memref_slice %arg3[%add3A_37] : memref<131072xi32, #tpu.memory_space<hbm>> -> memref<4096xi32, #tpu.memory_space<hbm>>
      %dma_start3A_47 = tpu.memref_slice %arg3[%add3A_37] : memref<131072xi32, #tpu.memory_space<hbm>> -> memref<4096xi32, #tpu.memory_space<hbm>>
      tpu.enqueue_dma source(%dma_start3A_47 : memref<4096xi32, #tpu.memory_space<hbm>>) target(%arg6 : memref<4096xi32, #tpu.memory_space<vmem>>) target_semaphore(%run_scoped3A : memref<!tpu.dma_semaphore, #tpu.memory_space<semaphore_mem>>)
      %dma_wait3A = tpu.memref_slice %arg3[%add3A_37] : memref<131072xi32, #tpu.memory_space<hbm>> -> memref<4096xi32, #tpu.memory_space<hbm>>
      %dma_wait3A_48 = tpu.memref_slice %arg3[%add3A_37] : memref<131072xi32, #tpu.memory_space<hbm>> -> memref<4096xi32, #tpu.memory_space<hbm>>
      tpu.wait_dma2 semaphore(%run_scoped3A : memref<!tpu.dma_semaphore, #tpu.memory_space<semaphore_mem>>) src(%dma_wait3A_48 : memref<4096xi32, #tpu.memory_space<hbm>>) dst(%arg6 : memref<4096xi32, #tpu.memory_space<vmem>>)
      tpu.yield
    }) : () -> ()
    %parallel_loop3A = arith.constant 0 : i32
    %parallel_loop3A_38 = arith.constant 768 : i32
    %parallel_loop3A_39 = arith.constant 1 : i32
    scf.for %parallel_loop3A_47 = %parallel_loop3A to %parallel_loop3A_38 step %parallel_loop3A_39  : i32 {
      %parallel_loop3A_48 = arith.constant 16 : i32
      %parallel_loop3A_49 = arith.muli %parallel_loop3A_47, %parallel_loop3A_48 : i32
      %parallel_loop3A_50 = tpu.iota {dimensions = array<i32: 0>} : vector<16xi32>
      %parallel_loop3A_51 = vector.broadcast %parallel_loop3A_49 : i32 to vector<16xi32>
      %parallel_loop3A_52 = arith.addi %parallel_loop3A_51, %parallel_loop3A_50 : vector<16xi32>
      %parallel_loop3A_53 = arith.constant 3 : i32
      %parallel_loop3A_54 = vector.broadcast %parallel_loop3A_53 : i32 to vector<16xi32>
      %parallel_loop3A_55 = arith.divsi %parallel_loop3A_52, %parallel_loop3A_54 : vector<16xi32>
      %parallel_loop3A_56 = arith.constant 0 : i32
      %parallel_loop3A_57 = vector.broadcast %parallel_loop3A_56 : i32 to vector<16xi32>
      %parallel_loop3A_58 = arith.cmpi sgt, %parallel_loop3A_52, %parallel_loop3A_57 : vector<16xi32>
      %parallel_loop3A_59 = arith.extui %parallel_loop3A_58 : vector<16xi1> to vector<16xi32>
      %parallel_loop3A_60 = arith.constant 0 : i32
      %parallel_loop3A_61 = vector.broadcast %parallel_loop3A_60 : i32 to vector<16xi32>
      %parallel_loop3A_62 = arith.cmpi slt, %parallel_loop3A_52, %parallel_loop3A_61 : vector<16xi32>
      %parallel_loop3A_63 = arith.extui %parallel_loop3A_62 : vector<16xi1> to vector<16xi32>
      %parallel_loop3A_64 = arith.subi %parallel_loop3A_59, %parallel_loop3A_63 : vector<16xi32>
      %parallel_loop3A_65 = arith.constant 0 : i32
      %parallel_loop3A_66 = arith.cmpi sgt, %parallel_loop3A_53, %parallel_loop3A_65 : i32
      %parallel_loop3A_67 = arith.extui %parallel_loop3A_66 : i1 to i32
      %parallel_loop3A_68 = arith.constant 0 : i32
      %parallel_loop3A_69 = arith.cmpi slt, %parallel_loop3A_53, %parallel_loop3A_68 : i32
      %parallel_loop3A_70 = arith.extui %parallel_loop3A_69 : i1 to i32
      %parallel_loop3A_71 = arith.subi %parallel_loop3A_67, %parallel_loop3A_70 : i32
      %parallel_loop3A_72 = vector.broadcast %parallel_loop3A_71 : i32 to vector<16xi32>
      %parallel_loop3A_73 = arith.cmpi ne, %parallel_loop3A_64, %parallel_loop3A_72 : vector<16xi32>
      %parallel_loop3A_74 = vector.broadcast %parallel_loop3A_53 : i32 to vector<16xi32>
      %parallel_loop3A_75 = arith.remsi %parallel_loop3A_52, %parallel_loop3A_74 : vector<16xi32>
      %parallel_loop3A_76 = arith.constant 0 : i32
      %parallel_loop3A_77 = vector.broadcast %parallel_loop3A_76 : i32 to vector<16xi32>
      %parallel_loop3A_78 = arith.cmpi ne, %parallel_loop3A_75, %parallel_loop3A_77 : vector<16xi32>
      %parallel_loop3A_79 = arith.andi %parallel_loop3A_73, %parallel_loop3A_78 : vector<16xi1>
      %parallel_loop3A_80 = arith.constant 1 : i32
      %parallel_loop3A_81 = vector.broadcast %parallel_loop3A_80 : i32 to vector<16xi32>
      %parallel_loop3A_82 = arith.subi %parallel_loop3A_55, %parallel_loop3A_81 : vector<16xi32>
      %parallel_loop3A_83 = arith.select %parallel_loop3A_79, %parallel_loop3A_82, %parallel_loop3A_55 : vector<16xi1>, vector<16xi32>
      %parallel_loop3A_84 = arith.constant 3 : i32
      %parallel_loop3A_85 = vector.broadcast %parallel_loop3A_84 : i32 to vector<16xi32>
      %parallel_loop3A_86 = arith.muli %parallel_loop3A_83, %parallel_loop3A_85 : vector<16xi32>
      %parallel_loop3A_87 = arith.subi %parallel_loop3A_52, %parallel_loop3A_86 : vector<16xi32>
      %parallel_loop3A_88 = tpu.vector_load_idx %arg6[%parallel_loop3A_83] : memref<4096xi32, #tpu.memory_space<vmem>>[vector<16xi32>], vector<16xi32>,
      %parallel_loop3A_89 = arith.constant 3 : i32
      %parallel_loop3A_90 = vector.broadcast %parallel_loop3A_89 : i32 to vector<16xi32>
      %parallel_loop3A_91 = arith.muli %parallel_loop3A_88, %parallel_loop3A_90 : vector<16xi32>
      %parallel_loop3A_92 = arith.addi %parallel_loop3A_91, %parallel_loop3A_87 : vector<16xi32>
      %parallel_loop3A_93 = tpu.vector_load_idx %arg5[%parallel_loop3A_92] : memref<24576xf32, #tpu.memory_space<vmem>>[vector<16xi32>], vector<16xf32>,
      %parallel_loop3A_94 = arith.constant 16 : i32
      %parallel_loop3A_95 = arith.muli %parallel_loop3A_47, %parallel_loop3A_94 : i32
      %parallel_loop3A_96 = arith.index_cast %parallel_loop3A_95 : i32 to index
      %parallel_loop3A_97 = tpu.vector_load %arg7[%parallel_loop3A_96] {strides = array<i32>} : memref<12288xf32, #tpu.memory_space<vmem>>, vector<16xf32>,
      tpu.vector_store %arg7[%parallel_loop3A_96], %parallel_loop3A_93 {strides = array<i32>} : memref<12288xf32, #tpu.memory_space<vmem>>, vector<16xf32>,
    } {sc.loop_unroll_factor = 1 : i64, sc.parallel_access}
    %mul3A_40 = arith.constant 24576 : i32
    %mul3A_41 = arith.muli %select_n3A, %mul3A_40 : i32
    %mul3A_42 = arith.constant 3 : i32
    %mul3A_43 = arith.muli %select_n3A_30, %mul3A_42 : i32
    %mul3A_44 = arith.constant 4096 : i32
    %mul3A_45 = arith.muli %mul3A_43, %mul3A_44 : i32
    %add3A_46 = arith.addi %mul3A_41, %mul3A_45 : i32
    "tpu.region"() ({
      %run_scoped3A = tpu.sem_alloc : memref<!tpu.dma_semaphore, #tpu.memory_space<semaphore_mem>>
      %dma_start3A = tpu.memref_slice %arg4[%add3A_46] : memref<393216xf32, #tpu.memory_space<hbm>> -> memref<12288xf32, #tpu.memory_space<hbm>>
      %dma_start3A_47 = tpu.memref_slice %arg4[%add3A_46] : memref<393216xf32, #tpu.memory_space<hbm>> -> memref<12288xf32, #tpu.memory_space<hbm>>
      tpu.enqueue_dma source(%arg7 : memref<12288xf32, #tpu.memory_space<vmem>>) target(%dma_start3A_47 : memref<12288xf32, #tpu.memory_space<hbm>>) target_semaphore(%run_scoped3A : memref<!tpu.dma_semaphore, #tpu.memory_space<semaphore_mem>>)
      %dma_wait3A = tpu.memref_slice %arg4[%add3A_46] : memref<393216xf32, #tpu.memory_space<hbm>> -> memref<12288xf32, #tpu.memory_space<hbm>>
      %dma_wait3A_48 = tpu.memref_slice %arg4[%add3A_46] : memref<393216xf32, #tpu.memory_space<hbm>> -> memref<12288xf32, #tpu.memory_space<hbm>>
      tpu.wait_dma2 semaphore(%run_scoped3A : memref<!tpu.dma_semaphore, #tpu.memory_space<semaphore_mem>>) src(%arg7 : memref<12288xf32, #tpu.memory_space<vmem>>) dst(%dma_wait3A_48 : memref<12288xf32, #tpu.memory_space<hbm>>)
      tpu.yield
    }) : () -> ()
    return
  }
}

module attributes {stable_mosaic.version = 14 : i64} {
  func.func @_corr_body(%arg0: i32, %arg1: i32, %arg2: memref<3x512xf32, #tpu.memory_space<vmem>>, %arg3: memref<1x8192x3xf32, #tpu.memory_space<vmem>>, %arg4: memref<1x1x512xi32, #tpu.memory_space<vmem>>) attributes {dimension_semantics = [#tpu.dimension_semantics<arbitrary>, #tpu.dimension_semantics<arbitrary>], iteration_bounds = array<i64: 16, 16>, scalar_prefetch = 0 : i64, scratch_operands = 0 : i64, tpu.core_type = #tpu.core_type<tc>, window_params = [{transform_indices = @transform_0, window_bounds = array<i64: 3, 512>}, {transform_indices = @transform_1, window_bounds = array<i64: 1, 8192, 3>}, {transform_indices = @transform_2, window_bounds = array<i64: 1, 1, 512>}]} {
    %get3A = arith.constant 0 : index
    %get3A_0 = arith.constant 0 : index
    %get3A_1 = vector.load %arg2[%get3A, %get3A_0] : memref<3x512xf32, #tpu.memory_space<vmem>>, vector<1x128xf32>
    %broadcast_in_dim3A = vector.shape_cast %get3A_1 : vector<1x128xf32> to vector<1x128xf32>
    %broadcast_in_dim3A_2 = vector.broadcast %broadcast_in_dim3A : vector<1x128xf32> to vector<8x128xf32>
    %get3A_3 = arith.constant 0 : index
    %get3A_4 = arith.constant 128 : index
    %get3A_5 = vector.load %arg2[%get3A_3, %get3A_4] : memref<3x512xf32, #tpu.memory_space<vmem>>, vector<1x128xf32>
    %broadcast_in_dim3A_6 = vector.shape_cast %get3A_5 : vector<1x128xf32> to vector<1x128xf32>
    %broadcast_in_dim3A_7 = vector.broadcast %broadcast_in_dim3A_6 : vector<1x128xf32> to vector<8x128xf32>
    %get3A_8 = arith.constant 0 : index
    %get3A_9 = arith.constant 256 : index
    %get3A_10 = vector.load %arg2[%get3A_8, %get3A_9] : memref<3x512xf32, #tpu.memory_space<vmem>>, vector<1x128xf32>
    %broadcast_in_dim3A_11 = vector.shape_cast %get3A_10 : vector<1x128xf32> to vector<1x128xf32>
    %broadcast_in_dim3A_12 = vector.broadcast %broadcast_in_dim3A_11 : vector<1x128xf32> to vector<8x128xf32>
    %get3A_13 = arith.constant 0 : index
    %get3A_14 = arith.constant 384 : index
    %get3A_15 = vector.load %arg2[%get3A_13, %get3A_14] : memref<3x512xf32, #tpu.memory_space<vmem>>, vector<1x128xf32>
    %broadcast_in_dim3A_16 = vector.shape_cast %get3A_15 : vector<1x128xf32> to vector<1x128xf32>
    %broadcast_in_dim3A_17 = vector.broadcast %broadcast_in_dim3A_16 : vector<1x128xf32> to vector<8x128xf32>
    %get3A_18 = arith.constant 1 : index
    %get3A_19 = arith.constant 0 : index
    %get3A_20 = vector.load %arg2[%get3A_18, %get3A_19] : memref<3x512xf32, #tpu.memory_space<vmem>>, vector<1x128xf32>
    %broadcast_in_dim3A_21 = vector.shape_cast %get3A_20 : vector<1x128xf32> to vector<1x128xf32>
    %broadcast_in_dim3A_22 = vector.broadcast %broadcast_in_dim3A_21 : vector<1x128xf32> to vector<8x128xf32>
    %get3A_23 = arith.constant 1 : index
    %get3A_24 = arith.constant 128 : index
    %get3A_25 = vector.load %arg2[%get3A_23, %get3A_24] : memref<3x512xf32, #tpu.memory_space<vmem>>, vector<1x128xf32>
    %broadcast_in_dim3A_26 = vector.shape_cast %get3A_25 : vector<1x128xf32> to vector<1x128xf32>
    %broadcast_in_dim3A_27 = vector.broadcast %broadcast_in_dim3A_26 : vector<1x128xf32> to vector<8x128xf32>
    %get3A_28 = arith.constant 1 : index
    %get3A_29 = arith.constant 256 : index
    %get3A_30 = vector.load %arg2[%get3A_28, %get3A_29] : memref<3x512xf32, #tpu.memory_space<vmem>>, vector<1x128xf32>
    %broadcast_in_dim3A_31 = vector.shape_cast %get3A_30 : vector<1x128xf32> to vector<1x128xf32>
    %broadcast_in_dim3A_32 = vector.broadcast %broadcast_in_dim3A_31 : vector<1x128xf32> to vector<8x128xf32>
    %get3A_33 = arith.constant 1 : index
    %get3A_34 = arith.constant 384 : index
    %get3A_35 = vector.load %arg2[%get3A_33, %get3A_34] : memref<3x512xf32, #tpu.memory_space<vmem>>, vector<1x128xf32>
    %broadcast_in_dim3A_36 = vector.shape_cast %get3A_35 : vector<1x128xf32> to vector<1x128xf32>
    %broadcast_in_dim3A_37 = vector.broadcast %broadcast_in_dim3A_36 : vector<1x128xf32> to vector<8x128xf32>
    %get3A_38 = arith.constant 2 : index
    %get3A_39 = arith.constant 0 : index
    %get3A_40 = vector.load %arg2[%get3A_38, %get3A_39] : memref<3x512xf32, #tpu.memory_space<vmem>>, vector<1x128xf32>
    %broadcast_in_dim3A_41 = vector.shape_cast %get3A_40 : vector<1x128xf32> to vector<1x128xf32>
    %broadcast_in_dim3A_42 = vector.broadcast %broadcast_in_dim3A_41 : vector<1x128xf32> to vector<8x128xf32>
    %get3A_43 = arith.constant 2 : index
    %get3A_44 = arith.constant 128 : index
    %get3A_45 = vector.load %arg2[%get3A_43, %get3A_44] : memref<3x512xf32, #tpu.memory_space<vmem>>, vector<1x128xf32>
    %broadcast_in_dim3A_46 = vector.shape_cast %get3A_45 : vector<1x128xf32> to vector<1x128xf32>
    %broadcast_in_dim3A_47 = vector.broadcast %broadcast_in_dim3A_46 : vector<1x128xf32> to vector<8x128xf32>
    %get3A_48 = arith.constant 2 : index
    %get3A_49 = arith.constant 256 : index
    %get3A_50 = vector.load %arg2[%get3A_48, %get3A_49] : memref<3x512xf32, #tpu.memory_space<vmem>>, vector<1x128xf32>
    %broadcast_in_dim3A_51 = vector.shape_cast %get3A_50 : vector<1x128xf32> to vector<1x128xf32>
    %broadcast_in_dim3A_52 = vector.broadcast %broadcast_in_dim3A_51 : vector<1x128xf32> to vector<8x128xf32>
    %get3A_53 = arith.constant 2 : index
    %get3A_54 = arith.constant 384 : index
    %get3A_55 = vector.load %arg2[%get3A_53, %get3A_54] : memref<3x512xf32, #tpu.memory_space<vmem>>, vector<1x128xf32>
    %broadcast_in_dim3A_56 = vector.shape_cast %get3A_55 : vector<1x128xf32> to vector<1x128xf32>
    %broadcast_in_dim3A_57 = vector.broadcast %broadcast_in_dim3A_56 : vector<1x128xf32> to vector<8x128xf32>
    %iota3A = tpu.iota {dimensions = array<i32: 0>} : vector<8x128xi32>
    %broadcast_in_dim3A_58 = arith.constant 0x7F800000 : f32
    %broadcast_in_dim3A_59 = vector.broadcast %broadcast_in_dim3A_58 : f32 to vector<8x128xf32>
    %broadcast_in_dim3A_60 = arith.constant 0 : i32
    %broadcast_in_dim3A_61 = vector.broadcast %broadcast_in_dim3A_60 : i32 to vector<8x128xi32>
    %scan3A = arith.constant 0 : i32
    %scan3A_62 = arith.constant 1024 : i32
    %scan3A_63 = arith.addi %scan3A, %scan3A_62 : i32
    %scan3A_64 = arith.constant 2 : i32
    %scan3A_65:8 = scf.for %scan3A_126 = %scan3A to %scan3A_63 step %scan3A_64 iter_args(%scan3A_127 = %broadcast_in_dim3A_59, %scan3A_128 = %broadcast_in_dim3A_59, %scan3A_129 = %broadcast_in_dim3A_59, %scan3A_130 = %broadcast_in_dim3A_59, %scan3A_131 = %broadcast_in_dim3A_61, %scan3A_132 = %broadcast_in_dim3A_61, %scan3A_133 = %broadcast_in_dim3A_61, %scan3A_134 = %broadcast_in_dim3A_61) -> (vector<8x128xf32>, vector<8x128xf32>, vector<8x128xf32>, vector<8x128xf32>, vector<8x128xi32>, vector<8x128xi32>, vector<8x128xi32>, vector<8x128xi32>)  : i32 {
      %mul3A = arith.constant 8 : i32
      %mul3A_135 = arith.muli %scan3A_126, %mul3A : i32
      %get3A_136 = arith.constant 0 : index
      %get3A_137 = arith.index_cast %mul3A_135 : i32 to index
      %get3A_138 = arith.constant 0 : index
      %get3A_139 = vector.load %arg3[%get3A_136, %get3A_137, %get3A_138] : memref<1x8192x3xf32, #tpu.memory_space<vmem>>, vector<1x8x3xf32>
      %get3A_140 = vector.shape_cast %get3A_139 : vector<1x8x3xf32> to vector<8x3xf32>
      %slice3A = vector.extract_strided_slice %get3A_140 {offsets = [0, 0], sizes = [8, 1], strides = [1, 1]} : vector<8x3xf32> to vector<8x1xf32>
      %slice3A_141 = vector.extract_strided_slice %get3A_140 {offsets = [0, 1], sizes = [8, 1], strides = [1, 1]} : vector<8x3xf32> to vector<8x1xf32>
      %slice3A_142 = vector.extract_strided_slice %get3A_140 {offsets = [0, 2], sizes = [8, 1], strides = [1, 1]} : vector<8x3xf32> to vector<8x1xf32>
      %mul3A_143 = arith.constant 8 : i32
      %mul3A_144 = arith.muli %scan3A_126, %mul3A_143 : i32
      %add3A = vector.broadcast %mul3A_144 : i32 to vector<8x128xi32>
      %add3A_145 = arith.addi %iota3A, %add3A : vector<8x128xi32>
      %sub3A = vector.broadcast %slice3A : vector<8x1xf32> to vector<8x128xf32>
      %sub3A_146 = arith.subf %sub3A, %broadcast_in_dim3A_2 : vector<8x128xf32>
      %sub3A_147 = vector.broadcast %slice3A_141 : vector<8x1xf32> to vector<8x128xf32>
      %sub3A_148 = arith.subf %sub3A_147, %broadcast_in_dim3A_22 : vector<8x128xf32>
      %sub3A_149 = vector.broadcast %slice3A_142 : vector<8x1xf32> to vector<8x128xf32>
      %sub3A_150 = arith.subf %sub3A_149, %broadcast_in_dim3A_42 : vector<8x128xf32>
      %mul3A_151 = arith.mulf %sub3A_146, %sub3A_146 : vector<8x128xf32>
      %mul3A_152 = arith.mulf %sub3A_148, %sub3A_148 : vector<8x128xf32>
      %add3A_153 = arith.addf %mul3A_151, %mul3A_152 : vector<8x128xf32>
      %mul3A_154 = arith.mulf %sub3A_150, %sub3A_150 : vector<8x128xf32>
      %add3A_155 = arith.addf %add3A_153, %mul3A_154 : vector<8x128xf32>
      %lt3A = arith.cmpf olt, %add3A_155, %scan3A_127 : vector<8x128xf32>
      %min3A = arith.minimumf %scan3A_127, %add3A_155 : vector<8x128xf32>
      %select_n3A_156 = arith.select %lt3A, %add3A_145, %scan3A_131 : vector<8x128xi1>, vector<8x128xi32>
      %sub3A_157 = vector.broadcast %slice3A : vector<8x1xf32> to vector<8x128xf32>
      %sub3A_158 = arith.subf %sub3A_157, %broadcast_in_dim3A_7 : vector<8x128xf32>
      %sub3A_159 = vector.broadcast %slice3A_141 : vector<8x1xf32> to vector<8x128xf32>
      %sub3A_160 = arith.subf %sub3A_159, %broadcast_in_dim3A_27 : vector<8x128xf32>
      %sub3A_161 = vector.broadcast %slice3A_142 : vector<8x1xf32> to vector<8x128xf32>
      %sub3A_162 = arith.subf %sub3A_161, %broadcast_in_dim3A_47 : vector<8x128xf32>
      %mul3A_163 = arith.mulf %sub3A_158, %sub3A_158 : vector<8x128xf32>
      %mul3A_164 = arith.mulf %sub3A_160, %sub3A_160 : vector<8x128xf32>
      %add3A_165 = arith.addf %mul3A_163, %mul3A_164 : vector<8x128xf32>
      %mul3A_166 = arith.mulf %sub3A_162, %sub3A_162 : vector<8x128xf32>
      %add3A_167 = arith.addf %add3A_165, %mul3A_166 : vector<8x128xf32>
      %lt3A_168 = arith.cmpf olt, %add3A_167, %scan3A_128 : vector<8x128xf32>
      %min3A_169 = arith.minimumf %scan3A_128, %add3A_167 : vector<8x128xf32>
      %select_n3A_170 = arith.select %lt3A_168, %add3A_145, %scan3A_132 : vector<8x128xi1>, vector<8x128xi32>
      %sub3A_171 = vector.broadcast %slice3A : vector<8x1xf32> to vector<8x128xf32>
      %sub3A_172 = arith.subf %sub3A_171, %broadcast_in_dim3A_12 : vector<8x128xf32>
      %sub3A_173 = vector.broadcast %slice3A_141 : vector<8x1xf32> to vector<8x128xf32>
      %sub3A_174 = arith.subf %sub3A_173, %broadcast_in_dim3A_32 : vector<8x128xf32>
      %sub3A_175 = vector.broadcast %slice3A_142 : vector<8x1xf32> to vector<8x128xf32>
      %sub3A_176 = arith.subf %sub3A_175, %broadcast_in_dim3A_52 : vector<8x128xf32>
      %mul3A_177 = arith.mulf %sub3A_172, %sub3A_172 : vector<8x128xf32>
      %mul3A_178 = arith.mulf %sub3A_174, %sub3A_174 : vector<8x128xf32>
      %add3A_179 = arith.addf %mul3A_177, %mul3A_178 : vector<8x128xf32>
      %mul3A_180 = arith.mulf %sub3A_176, %sub3A_176 : vector<8x128xf32>
      %add3A_181 = arith.addf %add3A_179, %mul3A_180 : vector<8x128xf32>
      %lt3A_182 = arith.cmpf olt, %add3A_181, %scan3A_129 : vector<8x128xf32>
      %min3A_183 = arith.minimumf %scan3A_129, %add3A_181 : vector<8x128xf32>
      %select_n3A_184 = arith.select %lt3A_182, %add3A_145, %scan3A_133 : vector<8x128xi1>, vector<8x128xi32>
      %sub3A_185 = vector.broadcast %slice3A : vector<8x1xf32> to vector<8x128xf32>
      %sub3A_186 = arith.subf %sub3A_185, %broadcast_in_dim3A_17 : vector<8x128xf32>
      %sub3A_187 = vector.broadcast %slice3A_141 : vector<8x1xf32> to vector<8x128xf32>
      %sub3A_188 = arith.subf %sub3A_187, %broadcast_in_dim3A_37 : vector<8x128xf32>
      %sub3A_189 = vector.broadcast %slice3A_142 : vector<8x1xf32> to vector<8x128xf32>
      %sub3A_190 = arith.subf %sub3A_189, %broadcast_in_dim3A_57 : vector<8x128xf32>
      %mul3A_191 = arith.mulf %sub3A_186, %sub3A_186 : vector<8x128xf32>
      %mul3A_192 = arith.mulf %sub3A_188, %sub3A_188 : vector<8x128xf32>
      %add3A_193 = arith.addf %mul3A_191, %mul3A_192 : vector<8x128xf32>
      %mul3A_194 = arith.mulf %sub3A_190, %sub3A_190 : vector<8x128xf32>
      %add3A_195 = arith.addf %add3A_193, %mul3A_194 : vector<8x128xf32>
      %lt3A_196 = arith.cmpf olt, %add3A_195, %scan3A_130 : vector<8x128xf32>
      %min3A_197 = arith.minimumf %scan3A_130, %add3A_195 : vector<8x128xf32>
      %select_n3A_198 = arith.select %lt3A_196, %add3A_145, %scan3A_134 : vector<8x128xi1>, vector<8x128xi32>
      %scan3A_199 = arith.constant 1 : i32
      %scan3A_200 = arith.addi %scan3A_126, %scan3A_199 : i32
      %mul3A_201 = arith.constant 8 : i32
      %mul3A_202 = arith.muli %scan3A_200, %mul3A_201 : i32
      %get3A_203 = arith.constant 0 : index
      %get3A_204 = arith.index_cast %mul3A_202 : i32 to index
      %get3A_205 = arith.constant 0 : index
      %get3A_206 = vector.load %arg3[%get3A_203, %get3A_204, %get3A_205] : memref<1x8192x3xf32, #tpu.memory_space<vmem>>, vector<1x8x3xf32>
      %get3A_207 = vector.shape_cast %get3A_206 : vector<1x8x3xf32> to vector<8x3xf32>
      %slice3A_208 = vector.extract_strided_slice %get3A_207 {offsets = [0, 0], sizes = [8, 1], strides = [1, 1]} : vector<8x3xf32> to vector<8x1xf32>
      %slice3A_209 = vector.extract_strided_slice %get3A_207 {offsets = [0, 1], sizes = [8, 1], strides = [1, 1]} : vector<8x3xf32> to vector<8x1xf32>
      %slice3A_210 = vector.extract_strided_slice %get3A_207 {offsets = [0, 2], sizes = [8, 1], strides = [1, 1]} : vector<8x3xf32> to vector<8x1xf32>
      %mul3A_211 = arith.constant 8 : i32
      %mul3A_212 = arith.muli %scan3A_200, %mul3A_211 : i32
      %add3A_213 = vector.broadcast %mul3A_212 : i32 to vector<8x128xi32>
      %add3A_214 = arith.addi %iota3A, %add3A_213 : vector<8x128xi32>
      %sub3A_215 = vector.broadcast %slice3A_208 : vector<8x1xf32> to vector<8x128xf32>
      %sub3A_216 = arith.subf %sub3A_215, %broadcast_in_dim3A_2 : vector<8x128xf32>
      %sub3A_217 = vector.broadcast %slice3A_209 : vector<8x1xf32> to vector<8x128xf32>
      %sub3A_218 = arith.subf %sub3A_217, %broadcast_in_dim3A_22 : vector<8x128xf32>
      %sub3A_219 = vector.broadcast %slice3A_210 : vector<8x1xf32> to vector<8x128xf32>
      %sub3A_220 = arith.subf %sub3A_219, %broadcast_in_dim3A_42 : vector<8x128xf32>
      %mul3A_221 = arith.mulf %sub3A_216, %sub3A_216 : vector<8x128xf32>
      %mul3A_222 = arith.mulf %sub3A_218, %sub3A_218 : vector<8x128xf32>
      %add3A_223 = arith.addf %mul3A_221, %mul3A_222 : vector<8x128xf32>
      %mul3A_224 = arith.mulf %sub3A_220, %sub3A_220 : vector<8x128xf32>
      %add3A_225 = arith.addf %add3A_223, %mul3A_224 : vector<8x128xf32>
      %lt3A_226 = arith.cmpf olt, %add3A_225, %min3A : vector<8x128xf32>
      %min3A_227 = arith.minimumf %min3A, %add3A_225 : vector<8x128xf32>
      %select_n3A_228 = arith.select %lt3A_226, %add3A_214, %select_n3A_156 : vector<8x128xi1>, vector<8x128xi32>
      %sub3A_229 = vector.broadcast %slice3A_208 : vector<8x1xf32> to vector<8x128xf32>
      %sub3A_230 = arith.subf %sub3A_229, %broadcast_in_dim3A_7 : vector<8x128xf32>
      %sub3A_231 = vector.broadcast %slice3A_209 : vector<8x1xf32> to vector<8x128xf32>
      %sub3A_232 = arith.subf %sub3A_231, %broadcast_in_dim3A_27 : vector<8x128xf32>
      %sub3A_233 = vector.broadcast %slice3A_210 : vector<8x1xf32> to vector<8x128xf32>
      %sub3A_234 = arith.subf %sub3A_233, %broadcast_in_dim3A_47 : vector<8x128xf32>
      %mul3A_235 = arith.mulf %sub3A_230, %sub3A_230 : vector<8x128xf32>
      %mul3A_236 = arith.mulf %sub3A_232, %sub3A_232 : vector<8x128xf32>
      %add3A_237 = arith.addf %mul3A_235, %mul3A_236 : vector<8x128xf32>
      %mul3A_238 = arith.mulf %sub3A_234, %sub3A_234 : vector<8x128xf32>
      %add3A_239 = arith.addf %add3A_237, %mul3A_238 : vector<8x128xf32>
      %lt3A_240 = arith.cmpf olt, %add3A_239, %min3A_169 : vector<8x128xf32>
      %min3A_241 = arith.minimumf %min3A_169, %add3A_239 : vector<8x128xf32>
      %select_n3A_242 = arith.select %lt3A_240, %add3A_214, %select_n3A_170 : vector<8x128xi1>, vector<8x128xi32>
      %sub3A_243 = vector.broadcast %slice3A_208 : vector<8x1xf32> to vector<8x128xf32>
      %sub3A_244 = arith.subf %sub3A_243, %broadcast_in_dim3A_12 : vector<8x128xf32>
      %sub3A_245 = vector.broadcast %slice3A_209 : vector<8x1xf32> to vector<8x128xf32>
      %sub3A_246 = arith.subf %sub3A_245, %broadcast_in_dim3A_32 : vector<8x128xf32>
      %sub3A_247 = vector.broadcast %slice3A_210 : vector<8x1xf32> to vector<8x128xf32>
      %sub3A_248 = arith.subf %sub3A_247, %broadcast_in_dim3A_52 : vector<8x128xf32>
      %mul3A_249 = arith.mulf %sub3A_244, %sub3A_244 : vector<8x128xf32>
      %mul3A_250 = arith.mulf %sub3A_246, %sub3A_246 : vector<8x128xf32>
      %add3A_251 = arith.addf %mul3A_249, %mul3A_250 : vector<8x128xf32>
      %mul3A_252 = arith.mulf %sub3A_248, %sub3A_248 : vector<8x128xf32>
      %add3A_253 = arith.addf %add3A_251, %mul3A_252 : vector<8x128xf32>
      %lt3A_254 = arith.cmpf olt, %add3A_253, %min3A_183 : vector<8x128xf32>
      %min3A_255 = arith.minimumf %min3A_183, %add3A_253 : vector<8x128xf32>
      %select_n3A_256 = arith.select %lt3A_254, %add3A_214, %select_n3A_184 : vector<8x128xi1>, vector<8x128xi32>
      %sub3A_257 = vector.broadcast %slice3A_208 : vector<8x1xf32> to vector<8x128xf32>
      %sub3A_258 = arith.subf %sub3A_257, %broadcast_in_dim3A_17 : vector<8x128xf32>
      %sub3A_259 = vector.broadcast %slice3A_209 : vector<8x1xf32> to vector<8x128xf32>
      %sub3A_260 = arith.subf %sub3A_259, %broadcast_in_dim3A_37 : vector<8x128xf32>
      %sub3A_261 = vector.broadcast %slice3A_210 : vector<8x1xf32> to vector<8x128xf32>
      %sub3A_262 = arith.subf %sub3A_261, %broadcast_in_dim3A_57 : vector<8x128xf32>
      %mul3A_263 = arith.mulf %sub3A_258, %sub3A_258 : vector<8x128xf32>
      %mul3A_264 = arith.mulf %sub3A_260, %sub3A_260 : vector<8x128xf32>
      %add3A_265 = arith.addf %mul3A_263, %mul3A_264 : vector<8x128xf32>
      %mul3A_266 = arith.mulf %sub3A_262, %sub3A_262 : vector<8x128xf32>
      %add3A_267 = arith.addf %add3A_265, %mul3A_266 : vector<8x128xf32>
      %lt3A_268 = arith.cmpf olt, %add3A_267, %min3A_197 : vector<8x128xf32>
      %min3A_269 = arith.minimumf %min3A_197, %add3A_267 : vector<8x128xf32>
      %select_n3A_270 = arith.select %lt3A_268, %add3A_214, %select_n3A_198 : vector<8x128xi1>, vector<8x128xi32>
      scf.yield %min3A_227, %min3A_241, %min3A_255, %min3A_269, %select_n3A_228, %select_n3A_242, %select_n3A_256, %select_n3A_270 : vector<8x128xf32>, vector<8x128xf32>, vector<8x128xf32>, vector<8x128xf32>, vector<8x128xi32>, vector<8x128xi32>, vector<8x128xi32>, vector<8x128xi32>
    }
    %scan3A_66 = arith.constant 1024 : i32
    %reduce_min3A = arith.constant dense<0x7F800000> : vector<128xf32>
    %reduce_min3A_67 = vector.multi_reduction <minimumf>, %scan3A_65#0, %reduce_min3A [0] : vector<8x128xf32> to vector<128xf32>
    %broadcast_in_dim3A_68 = vector.shape_cast %reduce_min3A_67 : vector<128xf32> to vector<1x128xf32>
    %eq3A = vector.broadcast %broadcast_in_dim3A_68 : vector<1x128xf32> to vector<8x128xf32>
    %eq3A_69 = arith.cmpf oeq, %scan3A_65#0, %eq3A : vector<8x128xf32>
    %jit3A = arith.constant 8192 : i32
    %broadcast_in_dim3A_70 = vector.broadcast %jit3A : i32 to vector<8x128xi32>
    %select_n3A = arith.select %eq3A_69, %scan3A_65#4, %broadcast_in_dim3A_70 : vector<8x128xi1>, vector<8x128xi32>
    %reduce_min3A_71 = arith.constant dense<2147483647> : vector<128xi32>
    %reduce_min3A_72 = vector.multi_reduction <minsi>, %select_n3A, %reduce_min3A_71 [0] : vector<8x128xi32> to vector<128xi32>
    %swap3A = arith.constant 0 : index
    %swap3A_73 = arith.constant 0 : index
    %swap3A_74 = arith.constant 0 : index
    %swap3A_75 = vector.load %arg4[%swap3A, %swap3A_73, %swap3A_74] : memref<1x1x512xi32, #tpu.memory_space<vmem>>, vector<1x1x128xi32>
    %swap3A_76 = vector.shape_cast %swap3A_75 : vector<1x1x128xi32> to vector<128xi32>
    %swap3A_77 = vector.shape_cast %reduce_min3A_72 : vector<128xi32> to vector<1x1x128xi32>
    tpu.vector_store %arg4[%swap3A, %swap3A_73, %swap3A_74], %swap3A_77 {strides = array<i32>} : memref<1x1x512xi32, #tpu.memory_space<vmem>>, vector<1x1x128xi32>,
    %reduce_min3A_78 = arith.constant dense<0x7F800000> : vector<128xf32>
    %reduce_min3A_79 = vector.multi_reduction <minimumf>, %scan3A_65#1, %reduce_min3A_78 [0] : vector<8x128xf32> to vector<128xf32>
    %broadcast_in_dim3A_80 = vector.shape_cast %reduce_min3A_79 : vector<128xf32> to vector<1x128xf32>
    %eq3A_81 = vector.broadcast %broadcast_in_dim3A_80 : vector<1x128xf32> to vector<8x128xf32>
    %eq3A_82 = arith.cmpf oeq, %scan3A_65#1, %eq3A_81 : vector<8x128xf32>
    %jit3A_83 = arith.constant 8192 : i32
    %broadcast_in_dim3A_84 = vector.broadcast %jit3A_83 : i32 to vector<8x128xi32>
    %select_n3A_85 = arith.select %eq3A_82, %scan3A_65#5, %broadcast_in_dim3A_84 : vector<8x128xi1>, vector<8x128xi32>
    %reduce_min3A_86 = arith.constant dense<2147483647> : vector<128xi32>
    %reduce_min3A_87 = vector.multi_reduction <minsi>, %select_n3A_85, %reduce_min3A_86 [0] : vector<8x128xi32> to vector<128xi32>
    %swap3A_88 = arith.constant 0 : index
    %swap3A_89 = arith.constant 0 : index
    %swap3A_90 = arith.constant 128 : index
    %swap3A_91 = vector.load %arg4[%swap3A_88, %swap3A_89, %swap3A_90] : memref<1x1x512xi32, #tpu.memory_space<vmem>>, vector<1x1x128xi32>
    %swap3A_92 = vector.shape_cast %swap3A_91 : vector<1x1x128xi32> to vector<128xi32>
    %swap3A_93 = vector.shape_cast %reduce_min3A_87 : vector<128xi32> to vector<1x1x128xi32>
    tpu.vector_store %arg4[%swap3A_88, %swap3A_89, %swap3A_90], %swap3A_93 {strides = array<i32>} : memref<1x1x512xi32, #tpu.memory_space<vmem>>, vector<1x1x128xi32>,
    %reduce_min3A_94 = arith.constant dense<0x7F800000> : vector<128xf32>
    %reduce_min3A_95 = vector.multi_reduction <minimumf>, %scan3A_65#2, %reduce_min3A_94 [0] : vector<8x128xf32> to vector<128xf32>
    %broadcast_in_dim3A_96 = vector.shape_cast %reduce_min3A_95 : vector<128xf32> to vector<1x128xf32>
    %eq3A_97 = vector.broadcast %broadcast_in_dim3A_96 : vector<1x128xf32> to vector<8x128xf32>
    %eq3A_98 = arith.cmpf oeq, %scan3A_65#2, %eq3A_97 : vector<8x128xf32>
    %jit3A_99 = arith.constant 8192 : i32
    %broadcast_in_dim3A_100 = vector.broadcast %jit3A_99 : i32 to vector<8x128xi32>
    %select_n3A_101 = arith.select %eq3A_98, %scan3A_65#6, %broadcast_in_dim3A_100 : vector<8x128xi1>, vector<8x128xi32>
    %reduce_min3A_102 = arith.constant dense<2147483647> : vector<128xi32>
    %reduce_min3A_103 = vector.multi_reduction <minsi>, %select_n3A_101, %reduce_min3A_102 [0] : vector<8x128xi32> to vector<128xi32>
    %swap3A_104 = arith.constant 0 : index
    %swap3A_105 = arith.constant 0 : index
    %swap3A_106 = arith.constant 256 : index
    %swap3A_107 = vector.load %arg4[%swap3A_104, %swap3A_105, %swap3A_106] : memref<1x1x512xi32, #tpu.memory_space<vmem>>, vector<1x1x128xi32>
    %swap3A_108 = vector.shape_cast %swap3A_107 : vector<1x1x128xi32> to vector<128xi32>
    %swap3A_109 = vector.shape_cast %reduce_min3A_103 : vector<128xi32> to vector<1x1x128xi32>
    tpu.vector_store %arg4[%swap3A_104, %swap3A_105, %swap3A_106], %swap3A_109 {strides = array<i32>} : memref<1x1x512xi32, #tpu.memory_space<vmem>>, vector<1x1x128xi32>,
    %reduce_min3A_110 = arith.constant dense<0x7F800000> : vector<128xf32>
    %reduce_min3A_111 = vector.multi_reduction <minimumf>, %scan3A_65#3, %reduce_min3A_110 [0] : vector<8x128xf32> to vector<128xf32>
    %broadcast_in_dim3A_112 = vector.shape_cast %reduce_min3A_111 : vector<128xf32> to vector<1x128xf32>
    %eq3A_113 = vector.broadcast %broadcast_in_dim3A_112 : vector<1x128xf32> to vector<8x128xf32>
    %eq3A_114 = arith.cmpf oeq, %scan3A_65#3, %eq3A_113 : vector<8x128xf32>
    %jit3A_115 = arith.constant 8192 : i32
    %broadcast_in_dim3A_116 = vector.broadcast %jit3A_115 : i32 to vector<8x128xi32>
    %select_n3A_117 = arith.select %eq3A_114, %scan3A_65#7, %broadcast_in_dim3A_116 : vector<8x128xi1>, vector<8x128xi32>
    %reduce_min3A_118 = arith.constant dense<2147483647> : vector<128xi32>
    %reduce_min3A_119 = vector.multi_reduction <minsi>, %select_n3A_117, %reduce_min3A_118 [0] : vector<8x128xi32> to vector<128xi32>
    %swap3A_120 = arith.constant 0 : index
    %swap3A_121 = arith.constant 0 : index
    %swap3A_122 = arith.constant 384 : index
    %swap3A_123 = vector.load %arg4[%swap3A_120, %swap3A_121, %swap3A_122] : memref<1x1x512xi32, #tpu.memory_space<vmem>>, vector<1x1x128xi32>
    %swap3A_124 = vector.shape_cast %swap3A_123 : vector<1x1x128xi32> to vector<128xi32>
    %swap3A_125 = vector.shape_cast %reduce_min3A_119 : vector<128xi32> to vector<1x1x128xi32>
    tpu.vector_store %arg4[%swap3A_120, %swap3A_121, %swap3A_122], %swap3A_125 {strides = array<i32>} : memref<1x1x512xi32, #tpu.memory_space<vmem>>, vector<1x1x128xi32>,
    return
  }
  func.func @transform_0(%arg0: i32, %arg1: i32) -> (i32, i32) {
    %c0_i32 = arith.constant 0 : i32
    %c0_i32_0 = arith.constant 0 : i32
    return %c0_i32, %arg1 : i32, i32
  }
  func.func @transform_1(%arg0: i32, %arg1: i32) -> (i32, i32, i32) {
    %c0_i32 = arith.constant 0 : i32
    %c0_i32_0 = arith.constant 0 : i32
    %c0_i32_1 = arith.constant 0 : i32
    return %arg0, %c0_i32, %c0_i32_0 : i32, i32, i32
  }
  func.func @transform_2(%arg0: i32, %arg1: i32) -> (i32, i32, i32) {
    %c0_i32 = arith.constant 0 : i32
    %c0_i32_0 = arith.constant 0 : i32
    return %arg0, %c0_i32, %arg1 : i32, i32, i32
  }
}

</mosaic_0001>

<sc_bundles>
// kernel: kernel.4.cloned.1.call-start
scs
__scs_entry_jumppad:
0x0: {  	(pc) =	sbr.rel $0x88, $3  }
0x1: {  	(tag) =	ssettag $0x0;
	lr =	simm.s32 $0x1  }
0x2: {  	[smem:$0x3FA0] =	sst lr;
	_ =	strace $0xD0000000  }
0x3: {  	_ = 	snop  }
0x4: {  	_ = 	snop  }
0x5: {  	_ = 	snop  }
0x6: {  	_ = 	snop  }
0x7: {  	_ = 	snop  }
__scs_overlays_trampoline_lowered:
0x8: {  	[smem:$0x3FAF] =	sst s0  }
0x9: {  	[smem:$0x3FB0] =	sst s1  }
0xa: {  	[smem:$0x3FB1] =	sst s2  }
0xb: {  	[smem:$0x3FB2] =	sst s3  }
0xc: {  	[smem:$0x3FB3] =	sst s4  }
0xd: {  	[smem:$0x3FB4] =	sst s5  }
0xe: {  	[smem:$0x3FB5] =	sst s6  }
0xf: {  	[smem:$0x3FB6] =	sst s7  }
0x10: {  	[smem:$0x3FB7] =	sst s8  }
0x11: {  	[smem:$0x3FB8] =	sst s9;
	s0 =	simm.s32 @!p0 $0x0  }
0x12: {  	s1 =	sld [smem:$0x3F9E];
	s0 =	simm.s32 @p0 $0x1  }
0x13: {  	[smem:$0x3FB9] =	sst s0;
	s0 =	simm.s32 @!p1 $0x0  }
0x14: {  	s2 =	sld [smem:$0x3F9D];
	s0 =	simm.s32 @p1 $0x1  }
0x15: {  	[smem:$0x3FBA] =	sst s0;
	s0 =	simm.s32 @!p2 $0x0  }
0x16: {  	s3 =	sld [smem:$0x3FDB];
	s0 =	simm.s32 @p2 $0x1  }
0x17: {  	s4 =	simm.s32 $0x1BF5;
	[smem:$0x3FBC] =	sst s0  }
0x18: {  	s0 =	sld [smem:$0x3F9F];
	_ =	swait.ge [sflag:s4], $0x0  }
0x19: {  	s7 =	sld [smem:$0x3FA0]  }
0x1a: {  	s8 =	sadd.s32 $0xFFFFE003, lr  }
0x1b: {  	s9 =	sadd.s32 $0xFFFFFEF7, lr;
	s5 =	simm.s32 $0xFFFFFFFF;
	p2 =	slt.u32 s8, $0xFFFFF086  }
0x1c: {  	p1 =	slt.u32 s9, $0xF7A;
	s5 =	simm.s32 @!p2 $0x0  }
0x1d: {  	s5 =	simm.s32 @p1 $0x1;
	p0 =	seq.s32 s7, s2  }
0x1e: {  	s7 =	smul.u32 @!p0 $0xF7A, s2;
	p2 =	seq.s32 @!p0 s5, $0x0  }
0x1f: {  	s9 =	smul.u32 $0xF7A, s1;
	s8 =	simm.s32 @!p0 $0x1BF5;
	p2 =	por !p2, p0  }
0x20: {  	[sflag:s8] =	ssyncset.s32 @!p0 $0xFFFFF086;
	s6 =	sadd.s32 @!p0 s3, s7;
	s7 =	simm.s32 @!p0 $0x108  }
0x21: {  	s3 =	sadd.s32 s3, s9;
	s6 =	sadd.s32 @!p0 $0x88, s6;
	s7 =	simm.s32 @p2 $0x1082  }
0x22: {  	[simem:s7], [sflag:s8] =	dma.local @!p0 [hbm:s6], $0xF7A  }
0x23: {  	s9 =	sor.u32 $0xD0000000, s2;
	s6 =	simm.s32 $0x108;
	_ =	swait.ge @!p0 [sflag:s8], $0x0  }
0x24: {  	s3 =	sadd.s32 $0x88, s3;
	s6 =	simm.s32 @!p1 $0x1082;
	[sflag:s4] =	ssyncset.s32 $0xFFFFF086  }
0x25: {  	[simem:s6], [sflag:s4] =	dma.local [hbm:s3], $0xF7A  }
0x26: {  	[smem:$0x3FA0] =	sst s1;
	(tag) =	ssettag s2;
	_ =	strace s9  }
0x27: {  	s1 =	sld [smem:$0x3FB0]  }
0x28: {  	s2 =	sld [smem:$0x3FB1]  }
0x29: {  	s4 =	sld [smem:$0x3FB3]  }
0x2a: {  	p0 =	seq.s32 s5, $0x0;
	s5 =	sld [smem:$0x3FB4]  }
0x2b: {  	s6 =	sld [smem:$0x3FB5]  }
0x2c: {  	s7 =	sld [smem:$0x3FB6]  }
0x2d: {  	s3 =	simm.s32 $0x108;
	s8 =	sld [smem:$0x3FB7]  }
0x2e: {  	s3 =	simm.s32 @!p0 $0x1082;
	s9 =	sld [smem:$0x3FB8]  }
0x2f: {  	lr =	sadd.s32 s0, s3;
	s0 =	sld [smem:$0x3FAF]  }
0x30: {  	s3 =	sld [smem:$0x3FB2]  }
0x31: {  	[smem:$0x3FBB] =	sst s10  }
0x32: {  	s10 =	sld [smem:$0x3FB9];
	_ =	sdelay $0x3  }
0x33: {  	p0 =	seq.s32 s10, $0x1;
	s10 =	sld [smem:$0x3FBB];
	_ =	sdelay $0x3  }
0x34: {  	[smem:$0x3FBB] =	sst s10  }
0x35: {  	s10 =	sld [smem:$0x3FBA];
	_ =	sdelay $0x3  }
0x36: {  	p1 =	seq.s32 s10, $0x1;
	s10 =	sld [smem:$0x3FBB];
	_ =	sdelay $0x3  }
0x37: {  	[smem:$0x3FBB] =	sst s10  }
0x38: {  	s10 =	sld [smem:$0x3FBC]  }
0x39: {  	_ = 	snop;
	(pc) =	sbr.ind lr, $3  }
0x3a: {  	_ = 	snop  }
0x3b: {  	_ = 	snop  }
0x3c: {  	p2 =	seq.s32 s10, $0x1;
	s10 =	sld [smem:$0x3FBB]  }
0x3d: {  	_ =	shalt  }
0x3e: {  	_ =	shalt  }
0x3f: {  	_ =	shalt  }
0x40: {  	_ =	shalt  }
0x41: {  	_ =	shalt  }
0x42: {  	_ =	shalt  }
0x43: {  	_ =	shalt  }
0x44: {  	_ =	shalt  }
0x45: {  	_ =	shalt  }
0x46: {  	_ =	shalt  }
0x47: {  	_ =	shalt  }
0x48: {  	_ =	shalt  }
0x49: {  	_ =	shalt  }
0x4a: {  	_ =	shalt  }
0x4b: {  	_ =	shalt  }
0x4c: {  	_ =	shalt  }
0x4d: {  	_ =	shalt  }
0x4e: {  	_ =	shalt  }
0x4f: {  	_ =	shalt  }
0x50: {  	_ =	shalt  }
0x51: {  	_ =	shalt  }
0x52: {  	_ =	shalt  }
0x53: {  	_ =	shalt  }
0x54: {  	_ =	shalt  }
0x55: {  	_ =	shalt  }
0x56: {  	_ =	shalt  }
0x57: {  	_ =	shalt  }
0x58: {  	_ =	shalt  }
0x59: {  	_ =	shalt  }
0x5a: {  	_ =	shalt  }
0x5b: {  	_ =	shalt  }
0x5c: {  	_ =	shalt  }
0x5d: {  	_ =	shalt  }
0x5e: {  	_ =	shalt  }
0x5f: {  	_ =	shalt  }
0x60: {  	_ =	shalt  }
0x61: {  	_ =	shalt  }
0x62: {  	_ =	shalt  }
0x63: {  	_ =	shalt  }
0x64: {  	_ =	shalt  }
0x65: {  	_ =	shalt  }
0x66: {  	_ =	shalt  }
0x67: {  	_ =	shalt  }
0x68: {  	_ =	shalt  }
0x69: {  	_ =	shalt  }
0x6a: {  	_ =	shalt  }
0x6b: {  	_ =	shalt  }
0x6c: {  	_ =	shalt  }
0x6d: {  	_ =	shalt  }
0x6e: {  	_ =	shalt  }
0x6f: {  	_ =	shalt  }
0x70: {  	_ =	shalt  }
0x71: {  	_ =	shalt  }
0x72: {  	_ =	shalt  }
0x73: {  	_ =	shalt  }
0x74: {  	_ =	shalt  }
0x75: {  	_ =	shalt  }
0x76: {  	_ =	shalt  }
0x77: {  	_ =	shalt  }
0x78: {  	_ =	shalt  }
0x79: {  	_ =	shalt  }
0x7a: {  	_ =	shalt  }
0x7b: {  	_ =	shalt  }
0x7c: {  	_ =	shalt  }
0x7d: {  	_ =	shalt  }
0x7e: {  	_ =	shalt  }
0x7f: {  	_ =	shalt  }
0x80: {  	_ =	shalt  }
0x81: {  	_ =	shalt  }
0x82: {  	_ =	shalt  }
0x83: {  	_ =	shalt  }
0x84: {  	_ =	shalt  }
0x85: {  	_ =	shalt  }
0x86: {  	_ =	shalt  }
0x87: {  	_ =	shalt  }
.Lfunc_end0:
.L_simem_size_0:
called_computation_lowered:
.L_overlay_start_0:
0x88: {  	s2 =	sld [smem:$0x3FD9]  }
0x89: {  	s3 =	sld [smem:$0x3FFE];
	_ =	sdelay $0x1  }
0x8a: {  	s1 =	srdreg.scid  }
0x8b: {  	s0 =	sand.u32 $0x1, s1  }
0x8c: {  	s14 =	sshll.u32 s0, $0xA;
	s2 =	sadd.s32 s3, s2  }
0x8d: {  	s2 =	sadd.s32 s2, s14  }
0x8e: {  	[smem:$0x3FC7] =	sst s2  }
0x8f: {  	_ = 	snop  }
0x90: {  	s2 =	sld [smem:$0x3FD0];
	_ =	sdelay $0x2  }
0x91: {  	s15 =	simm.s32 $0xA;
	s4 =	simm.s32 $0x10  }
0x92: {  	[smem:s4], [sflag:s15] =	dma.local [hbm:s2], $0x1  }
0x93: {  	_ =	swait.eq [sflag:s15], $0x1  }
0x94: {  	[sflag:s15] =	ssyncset.done $0x0  }
0x95: {  	[sflag:s15] =	ssyncadd.s32 $0xFFFFFFFF  }
0x96: {  	s16 =	sld [smem:$0x12];
	(tm) =	ssettm $0x1  }
0x97: {  	s17 =	sld [smem:$0x3FFB];
	_ =	sdelay $0x3  }
0x98: {  	_ =	strace s17  }
0x99: {  	s3 =	sld [smem:$0x3FFC];
	_ =	sdelay $0x3  }
0x9a: {  	_ =	strace s3  }
0x9b: {  	s3 =	sld [smem:$0x3FFD];
	_ =	sdelay $0x3  }
0x9c: {  	_ =	strace s3  }
0x9d: {  	_ =	strace $0x8FFFFFFF  }
0x9e: {  	s18 =	sld [smem:$0x3FDB];
	_ =	sdelay $0x1  }
0x9f: {  	s19 =	simm.s32 $_scs_section_size  }
0xa0: {  	s5 =	simm.s32 $_size__tile_overlayer_lowered;
	s6 =	simm.s32 $_tile_overlayer_lowered  }
0xa1: {  	s22 =	simm.s32 $0x1BFF;
	s21 =	sshll.u32 s6, $0x1;
	s3 =	sadd.s32 s19, s18  }
0xa2: {  	s7 =	simm.s32 $0x0;
	s20 =	sshll.u32 s5, $0x1;
	s5 =	sadd.s32 s21, s3  }
0xa3: {  	[timem:s7], [sflag:s22] =	dma.local [hbm:s5], s20  }
0xa4: {  	_ =	swait.ge [sflag:s22], s20  }
0xa5: {  	s4 =	ssub.s32 $0x0, s20;
	[sflag:s22] =	ssyncset.done $0x0  }
0xa6: {  	[sflag:s22] =	ssyncadd.s32 s4;
	_ =	sdelay $0x1  }
0xa7: {  	s23 =	simm.s32 $0x1B8B  }
0xa8: {  	_ =	swait.ge [sflag:s23], $0x1  }
0xa9: {  	[sflag:s23] =	ssyncset.done $0x0  }
0xaa: {  	s25 =	simm.s32 $0x1B8E;
	s24 =	sld [smem:$0x3FFE];
	[sflag:s23] =	ssyncadd.s32 $0xFFFFFFFF  }
0xab: {  	s26 =	simm.s32 $execute0_lowered;
	[smem:$0x3FD2] =	sst s25  }
0xac: {  	s5 =	sshll.u32 s26, $0x1;
	_ =	strace $0x80000046;
	[dreg:$0x1] =	wrdreg $0xFFFFFFFF  }
0xad: {  	s28 =	simm.s32 $_size_execute0_lowered;
	s3 =	sadd.s32 s3, s5;
	[dreg:$0x0] =	wrdreg $0x0  }
0xae: {  	s5 =	sshll.u32 s28, $0x1;
	[dreg:$0x2] =	wrdreg s3  }
0xaf: {  	[dreg:$0x3] =	wrdreg s5  }
0xb0: {  	[dreg:$0x4] =	wrdreg $0xC0  }
0xb1: {  	_ =	task [dreg:s7], $0x5FFFF  }
0xb2: {  	[dreg:$0x1] =	wrdreg $0xFFFFFFFF  }
0xb3: {  	[dreg:$0x0] =	wrdreg $0x60  }
0xb4: {  	[dreg:$0x2] =	wrdreg s16  }
0xb5: {  	[dreg:$0x3] =	wrdreg s24  }
0xb6: {  	[dreg:$0x4] =	wrdreg $0x9  }
0xb7: {  	_ =	task.clear_ibuf [dreg:s7], $0x5FFFF;
	_ =	strace $0x90000046  }
0xb8: {  	s29 =	simm.s32 $0x9;
	_ =	strace $0x80000048  }
0xb9: {  	_ =	swait.ge [sflag:s29], $0x1  }
0xba: {  	[sflag:s29] =	ssyncadd.s32 $0xFFFFFFFF  }
0xbb: {  	_ =	strace $0x90000048  }
0xbc: {  	_ =	sfence  }
0xbd: {  	s30 =	sld [smem:$0x0];
	_ =	sdelay $0x2  }
0xbe: {  	s31 =	sshll.u32 s1, $0xD;
	s1 =	sshrl.u32 s1, $0x2  }
0xbf: {  	s3 =	sand.u32 $0x4000, s31;
	s1 =	sadd.s32 s1, s30  }
0xc0: {  	s0 =	sor.u32 s3, s0;
	s1 =	sshll.u32 s1, $0x11  }
0xc1: {  	s0 =	sor.u32 s1, s0  }
0xc2: {  	s0 =	sadd.s32 $0x8F2B, s0  }
0xc3: {  	[sflag:s0] =	ssyncadd.remote.s32 $0x1  }
0xc4: {  	_ =	sfence.sel $0xFFFF  }
0xc5: {  	[dreg:$0x0] =	wrdreg $0xFFFFFFFF;
	(pc) =	sbr.abs _section_cstart, $3  }
0xc6: {  	[dreg:$0x1] =	wrdreg $0xFFFFFFFF  }
0xc7: {  	_ =	task.clear_ibuf [dreg:s7], $0x2FFFF;
	_ =	strace $0x9FFFFFFF  }
0xc8: {  	(tm) =	ssettm $0x7FFFFFFF  }
0xc9: {  	_ =	shalt  }
tec
execute0_lowered:
.L_overlay_start_1:
0x0: {  	(tag) =	ssettag $0x1  }
0x1: {  	s1 =	srdreg.scid  }
0x2: {  	s0 =	stileid.u32;
	s4 =	sand.u32 $0x1, s1  }
0x3: {  	s1 =	sor.u32 s4, s0  }
0x4: {  	s7 =	rddreg [dreg:$0x0];
	p1 =	seq.s32 s4, $0x1;
	p0 =	seq.s32 s1, $0x0  }
0x5: {  	s8 =	rddreg [dreg:$0x1];
	p0 =	por !p0, !p1  }
0x6: {  	s2 =	simm.s32 $0x0;
	s1 =	simm.s32 $0x1;
	p0 =	por !p0, !p0  }
0x7: {  	[smem:$0x7FF] =	sst s2;
	s1 =	simm.s32 @!p0 $0x0  }
0x8: {  	s3 =	smul.u32 $0x3000, s4;
	s10 =	ssub.s32 $0x2, s4;
	s5 =	ssub.s32 s0, s1  }
0x9: {  	s4 =	sshll.u32 s4, $0xC;
	s11 =	sshrl.u32 s10, $0x1;
	s6 =	smul.u32 $0x6000, s5  }
0xa: {  	s10 =	ssub.s32 s10, s11;
	s1 =	rddreg [dreg:$0x2];
	s5 =	sshll.u32 s5, $0xD  }
0xb: {  	_ =	strace $0x80000047;
	s5 =	sor.u32 s4, s5;
	s3 =	sadd.s32 s3, s6  }
0xc: {  	s6 =	sshrl.u32 s6, $0x3;
	s5 =	sshrl.u32 s5, $0x3;
	s9 =	sshrl.u32 s3, $0x3  }
0xd: {  	s3 =	simm.s32 $0x1;
	s4 =	sadd.s32 s7, s6;
	s5 =	sadd.s32 s8, s5  }
0xe: {  	s7 =	smax.u32 s10, $0x1;
	s10 =	simm.s32 $0x0;
	s9 =	sadd.s32 s9, s8  }
0xf: {  	v0 =	vlaneseq.u32;
	v1 =	vimm.s32 $0x0;
	s8 =	simm.s32 $0x6000;
	s6 =	sadd.s32 $0x4000, s9;
	s9 =	simm.s32 $0x7000  }
.LBB2_1:
0x10: {  	v3 =	vor.u32 s2, v0  }
0x11: {  	v2 =	vmulhi.u32 $0xAAAAAAAB, v3;
	_ =	sdelay $0x1  }
0x12: {  	v2 =	vshrl.u32 v2, $0x1  }
0x13: {  	s11 =	simm.s32 $0x10;
	v4 =	vmul.u32 $0xFFFFFFFD, v2  }
0x14: {  	v5 =	vmov s2;
	v6 =	vsub.s32 $0x0, v3;
	v7 =	vor.u32 s11, v0  }
0x15: {  	[tilespmem:s2], [sflag:$0x1] =	stream.linear.gather [hbm4b:s4+s2], $0x6000, $0x38;
	vm0 =	veq.s32 v5, v0;
	vm1 =	vne.s32 v4, v6;
	v4 =	vmulhi.u32 $0xAAAAAAAB, v7;
	[tilespmem:$0xA000] =	vst v63  }
0x16: {  	_ =	swait.ge [sflag:s3], $0x6000;
	vm0 =	vmand vm0, vm1  }
0x17: {  	[sflag:s3] =	ssyncset.done $0x0;
	v5 =	vsel vm0, $0xFFFFFFFF, v1;
	v4 =	vshrl.u32 v4, $0x1  }
0x18: {  	s12 =	simm.s32 $0x20;
	[sflag:s3] =	ssyncadd.s32 $0xFFFFA000;
	v5 =	vadd.s32 v5, v2;
	v2 =	vmul.u32 $0xFFFFFFFD, v4  }
0x19: {  	v11 =	vor.u32 s12, v0;
	v8 =	vsub.s32 $0x0, v7;
	[tilespmem:s8], [sflag:$0x1] =	stream.linear.gather [hbm4b:s5+s2], $0x1000, $0x38;
	v6 =	vmov s11;
	[tilespmem:$0xA000] =	vst v63  }
0x1a: {  	_ =	swait.ge [sflag:s3], $0x1000;
	vm8 =	veq.s32 v6, v0;
	vm9 =	vne.s32 v2, v8;
	v2 =	vmulhi.u32 $0xAAAAAAAB, v11  }
0x1b: {  	[sflag:s3] =	ssyncset.done $0x0;
	vm0 =	vmand vm8, vm9  }
0x1c: {  	[sflag:s3] =	ssyncadd.s32 $0xFFFFF000;
	v6 =	vsel vm0, $0xFFFFFFFF, v1;
	v9 =	vshrl.u32 v2, $0x1  }
0x1d: {  	v8 =	vld.idx.msk [tilespmem:v5+s8+$0x0], $0xffff;
	v4 =	vadd.s32 v6, v4;
	v6 =	vmul.u32 $0xFFFFFFFD, v9  }
0x1e: {  	s29 =	simm.s32 $0x30;
	v10 =	vmov s12;
	v12 =	vsub.s32 $0x0, v11  }
0x1f: {  	vm10 =	veq.s32 v10, v0;
	v2 =	vor.u32 s29, v0;
	vm11 =	vne.s32 v6, v12  }
0x20: {  	v6 =	vmulhi.u32 $0xAAAAAAAB, v2;
	vm0 =	vmand vm10, vm11  }
0x21: {  	v5 =	vmul.u32 $0xFFFFFFFD, v5;
	v10 =	vsel vm0, $0xFFFFFFFF, v1  }
0x22: {  	v6 =	vshrl.u32 v6, $0x1;
	v12 =	vld.idx.msk [tilespmem:v4+s8+$0x0], $0xffff;
	v8 =	vmul.u32 $0x3, v8;
	v9 =	vadd.s32 v10, v9  }
0x23: {  	s30 =	simm.s32 $0x40;
	v13 =	vsub.s32 $0x0, v2;
	v3 =	vadd.s32 v3, v5;
	v5 =	vmul.u32 $0xFFFFFFFD, v6  }
0x24: {  	v10 =	vmov s29;
	v8 =	vadd.s32 v8, v3;
	v3 =	vor.u32 s30, v0  }
0x25: {  	vm12 =	veq.s32 v10, v0;
	vm13 =	vne.s32 v5, v13;
	v5 =	vmulhi.u32 $0xAAAAAAAB, v3  }
0x26: {  	v4 =	vmul.u32 $0xFFFFFFFD, v4;
	vm0 =	vmand vm12, vm13  }
0x27: {  	v10 =	vmul.u32 $0x3, v12;
	v12 =	vsel vm0, $0xFFFFFFFF, v1;
	v13 =	vld.idx.msk [tilespmem:v9+s8+$0x0], $0xffff;
	v14 =	vshrl.u32 v5, $0x1  }
0x28: {  	v4 =	vadd.s32 v7, v4;
	v5 =	vadd.s32 v12, v6;
	v6 =	vmul.u32 $0xFFFFFFFD, v14  }
0x29: {  	s31 =	simm.s32 $0x50;
	v7 =	vadd.s32 v10, v4;
	v12 =	vld.idx.msk [tilespmem:v8+s2+$0x0], $0xffff;
	v8 =	vmov s30;
	v10 =	vsub.s32 $0x0, v3  }
0x2a: {  	v4 =	vor.u32 s31, v0;
	vm14 =	veq.s32 v8, v0;
	vm15 =	vne.s32 v6, v10  }
0x2b: {  	v15 =	vmul.u32 $0xFFFFFFFD, v9;
	v6 =	vmulhi.u32 $0xAAAAAAAB, v4;
	vm0 =	vmand vm14, vm15  }
0x2c: {  	v9 =	vsel vm0, $0xFFFFFFFF, v1;
	v13 =	vmul.u32 $0x3, v13  }
0x2d: {  	v10 =	vshrl.u32 v6, $0x1;
	v8 =	vld.idx.msk [tilespmem:v5+s8+$0x0], $0xffff;
	v9 =	vadd.s32 v9, v14;
	v14 =	vadd.s32 v11, v15  }
0x2e: {  	v11 =	vmul.u32 $0xFFFFFFFD, v10;
	v6 =	vld.idx.msk [tilespmem:v7+s2+$0x0], $0xffff;
	v7 =	vadd.s32 v13, v14  }
0x2f: {  	s12 =	simm.s32 $0x60;
	s11 =	simm.s32 $0x7000;
	[tilespmem:s9+$0x0] =	vst v12;
	v12 =	vmov s31;
	v13 =	vsub.s32 $0x0, v4  }
.LBB2_2:
0x30: {  	v14 =	vor.u32 s12, v0;
	p0 =	sne.s32 s12, $0x2FF0;
	vm0 =	veq.s32 v12, v0;
	vm1 =	vne.s32 v11, v13;
	s13 =	smov.u32 s12;
	s12 =	sadd.s32 $0x10, s12  }
.Ltmp0:
0x31: {  	v12 =	vmul.u32 $0xFFFFFFFD, v5;
	v5 =	vmovc v9;
	v11 =	vmulhi.u32 $0xAAAAAAAB, v14;
	vm0 =	vmand vm0, vm1;
	(pc) =	sbr.rel @p0 .LBB2_2-.Ltmp0, $4  }
0x32: {  	s11 =	sadd.s32 $0x10, s11;
	v15 =	vmul.u32 $0x3, v8;
	v13 =	vsel vm0, $0xFFFFFFFF, v1;
	v8 =	vld.idx.msk [tilespmem:v9+s8+$0x0], $0xffff  }
0x33: {  	v12 =	vadd.s32 v2, v12;
	v9 =	vadd.s32 v13, v10;
	v10 =	vshrl.u32 v11, $0x1;
	[tilespmem:s11+$0x0] =	vst v6;
	v6 =	vld.idx.msk [tilespmem:v7+s2+$0x0], $0xffff  }
0x34: {  	v2 =	vmovc v3;
	v3 =	vmovc v4;
	v4 =	vmov v14;
	v7 =	vadd.s32 v15, v12;
	v11 =	vmul.u32 $0xFFFFFFFD, v10  }
0x35: {  	v12 =	vmov s13;
	v13 =	vsub.s32 $0x0, v4  }
0x36: {  	vm0 =	veq.s32 v12, v0;
	vm1 =	vne.s32 v11, v13  }
0x37: {  	vm0 =	vmand vm0, vm1  }
0x38: {  	v57 =	vsel vm0, $0xFFFFFFFF, v1  }
0x39: {  	v10 =	vadd.s32 v57, v10;
	_ =	sdelay $0x3  }
0x3a: {  	v58 =	vld.idx.msk [tilespmem:v9+s8+$0x0], $0xffff  }
0x3b: {  	v59 =	vld.idx.msk [tilespmem:v10+s8+$0x0], $0xffff;
	_ =	sdelay $0x1  }
0x3c: {  	v5 =	vmul.u32 $0xFFFFFFFD, v5  }
0x3d: {  	v60 =	vmul.u32 $0xFFFFFFFD, v9;
	v8 =	vmul.u32 $0x3, v8  }
0x3e: {  	v2 =	vadd.s32 v2, v5;
	v61 =	vmul.u32 $0x3, v58;
	v10 =	vmul.u32 $0xFFFFFFFD, v10  }
0x3f: {  	v3 =	vadd.s32 v3, v60;
	v2 =	vadd.s32 v8, v2;
	v62 =	vmul.u32 $0x3, v59  }
0x40: {  	v3 =	vadd.s32 v61, v3;
	v4 =	vadd.s32 v4, v10  }
0x41: {  	v4 =	vadd.s32 v62, v4;
	_ =	sdelay $0x1  }
0x42: {  	v63 =	vld.idx.msk [tilespmem:v7+s2+$0x0], $0xffff  }
0x43: {  	v2 =	vld.idx.msk [tilespmem:v2+s2+$0x0], $0xffff  }
0x44: {  	v3 =	vld.idx.msk [tilespmem:v3+s2+$0x0], $0xffff  }
0x45: {  	s11 =	sadd.s32 $0x10, s11;
	v4 =	vld.idx.msk [tilespmem:v4+s2+$0x0], $0xffff  }
0x46: {  	[tilespmem:s11+$0x0] =	vst v6;
	s11 =	sadd.s32 $0x10, s11  }
0x47: {  	[tilespmem:s11+$0x0] =	vst v63;
	s11 =	sadd.s32 $0x10, s11  }
0x48: {  	s10 =	sadd.s32 $0x1, s10;
	[tilespmem:s11+$0x0] =	vst v2;
	s11 =	sadd.s32 $0x10, s11  }
0x49: {  	p0 =	sne.s32 s10, s7;
	[tilespmem:s11+$0x0] =	vst v3;
	s11 =	sadd.s32 $0x10, s11  }
.Ltmp1:
0x4a: {  	[tilespmem:s11+$0x0] =	vst v4;
	(pc) =	sbr.rel @p0 .LBB2_1-.Ltmp1, $4  }
0x4b: {  	[hbm4b:s6+s2] =	stream.linear.scatter [tilespmem:s9], [sflag:$0x1], $0x3000, $0x38;
	[tilespmem:$0xA000] =	vst v63  }
0x4c: {  	_ =	swait.ge [sflag:s3], $0x3000  }
0x4d: {  	[sflag:s3] =	ssyncset.done $0x0  }
0x4e: {  	[sflag:s3] =	ssyncadd.s32 $0xFFFFD000  }
0x4f: {  	_ =	sfence.sel $0x180000  }
0x50: {  	[bflag:$0x0] =	sbarrier.arrive $0xFFFF  }
0x51: {  	p0 =	sne.s32 s0, $0x0;
	_ =	strace $0x90000047  }
0x52: {  	s0 =	sadd.s32 @!p0 $0x100000, s1;
	[bflag:$0x2] =	sbarrier.arrive $0xFFFF  }
0x53: {  	[sflag:s0] =	ssyncadd.tile.s32 @!p0 $0x1;
	_ =	shalt  }
.Lfunc_end2:
_tile_overlayer_lowered:
.L_overlay_start_2:
0x54: {  	(tag) =	ssettag $0x2  }
0x55: {  	s0 =	rddreg [dreg:$0x0];
	s2 =	stileid.u32  }
0x56: {  	s1 =	rddreg [dreg:$0x1];
	p0 =	sne.s32 s2, $0x0  }
0x57: {  	s3 =	rddreg [dreg:$0x2];
	[bflag:$0x3] =	sbarrier.arrive $0xFFFF;
	s2 =	simm.s32 @!p0 $0x1C01  }
0x58: {  	[timem:s3], [sflag:s2] =	dma.local @!p0 [hbm:s0], s1  }
0x59: {  	s0 =	simm.s32 @!p0 $0x1  }
0x5a: {  	_ =	swait.ge @!p0 [sflag:s0], s1  }
0x5b: {  	s1 =	ssub.s32 @!p0 $0x0, s1;
	[sflag:s0] =	ssyncset.done @!p0 $0x0  }
0x5c: {  	[sflag:s0] =	ssyncadd.s32 @!p0 s1  }
0x5d: {  	[bflag:$0x3] =	sbarrier.arrive $0xFFFF  }
0x5e: {  	_ =	shalt  }

</sc_bundles>
